<compile_context>
chip_gen: v7x
topology: tpu7x:2x2x1
jax: 0.10.2.dev20260603
libtpu: 0.0.44.dev20260713+nightly
codegen_flags: <defaults>
</compile_context>

<pallas_src>
import functools

import jax
import jax.numpy as jnp
from jax import lax
from jax.experimental import pallas as pl
from jax.experimental.pallas import tpu as pltpu
from jax.experimental.pallas import tpu_sc as plsc

PORT_DIM = 32
PROTO_DIM = 8
PACK_DIM = PORT_DIM + PROTO_DIM
LANES = 16


def _sc_gather_t(table4, pidx, ptable_t, qidx, *, nc, ns, b):
    nw = nc * ns
    vhi, vlo = table4.shape[1], table4.shape[3]
    pv = ptable_t.shape[1]
    qchunk = b // (nw // PROTO_DIM)
    mesh = plsc.VectorSubcoreMesh(core_axis_name="c", subcore_axis_name="s")

    @functools.partial(
        pl.kernel,
        mesh=mesh,
        compiler_params=pltpu.CompilerParams(use_tc_tiling_on_sc=False,
                                             needs_layout_passes=False),
        out_type=jax.ShapeDtypeStruct((PACK_DIM, b), jnp.float32),
        scratch_types=[
            pltpu.VMEM((vhi, vlo), jnp.float32),
            pltpu.VMEM((pv,), jnp.float32),
            pltpu.VMEM((b,), jnp.int32),
            pltpu.VMEM((qchunk,), jnp.int32),
            pltpu.VMEM((b,), jnp.float32),
            pltpu.VMEM((qchunk,), jnp.float32),
            pltpu.SemaphoreType.DMA,
        ],
    )
    def gather(tbl, pidx_hbm, ptbl, qidx_hbm, out,
               row_v, prow_v, pidx_v, qidx_v, pout_v, qout_v, sem):
        wid = lax.axis_index("s") * nc + lax.axis_index("c")
        qf = wid % PROTO_DIM
        qb = (wid // PROTO_DIM) * qchunk
        copies = [
            pltpu.async_copy(tbl.at[wid // 8, :, wid % 8, :], row_v, sem),
            pltpu.async_copy(ptbl.at[qf], prow_v, sem),
            pltpu.async_copy(pidx_hbm, pidx_v, sem),
            pltpu.async_copy(qidx_hbm.at[pl.ds(qb, qchunk)], qidx_v, sem),
        ]
        for c in copies:
            c.wait()

        @plsc.parallel_loop(0, b // LANES, unroll=16)
        def port_body(i):
            vec = pidx_v[pl.ds(i * LANES, LANES)]
            pout_v[pl.ds(i * LANES, LANES)] = plsc.load_gather(
                row_v, [lax.shift_right_logical(vec, 7),
                        lax.bitwise_and(vec, 127)])

        @plsc.parallel_loop(0, qchunk // LANES, unroll=16)
        def proto_body(i):
            vec = qidx_v[pl.ds(i * LANES, LANES)]
            qout_v[pl.ds(i * LANES, LANES)] = plsc.load_gather(prow_v, [vec])

        pltpu.sync_copy(pout_v, out.at[wid])
        pltpu.sync_copy(qout_v, out.at[PORT_DIM + qf, pl.ds(qb, qchunk)])

    return gather(table4, pidx, ptable_t, qidx)


def _mlp_body(packed, feat, w1ab, w1c, b1, w2, b2, w3t, b3, out):
    h = jnp.dot(feat[...], w1c[...], preferred_element_type=jnp.float32)
    h += lax.dot_general(packed[...], w1ab[...],
                         (((0,), (0,)), ((), ())),
                         preferred_element_type=jnp.float32)
    h = jnp.maximum(h + b1[...], 0.0)
    h = jnp.dot(h, w2[...], preferred_element_type=jnp.float32) + b2[...]
    h = jnp.maximum(h, 0.0)
    out[...] = lax.dot_general(w3t[...], h, (((1,), (1,)), ((), ())),
                               preferred_element_type=jnp.float32) + b3[...]


def _mlp(packed_t, features, w1ab, w1c, b1, w2, b2, w3t, b3, *, bm):
    b = features.shape[0]
    n_out = w3t.shape[0]
    const = lambda i: (0, 0)
    return pl.pallas_call(
        _mlp_body,
        grid=(b // bm,),
        in_specs=[
            pl.BlockSpec((PACK_DIM, bm), lambda i: (0, i)),
            pl.BlockSpec((bm, features.shape[1]), lambda i: (i, 0)),
            pl.BlockSpec(w1ab.shape, const),
            pl.BlockSpec(w1c.shape, const),
            pl.BlockSpec(b1.shape, const),
            pl.BlockSpec(w2.shape, const),
            pl.BlockSpec(b2.shape, const),
            pl.BlockSpec(w3t.shape, const),
            pl.BlockSpec(b3.shape, const),
        ],
        out_specs=pl.BlockSpec((n_out, bm), lambda i: (0, i)),
        out_shape=jax.ShapeDtypeStruct((n_out, b), jnp.float32),
        compiler_params=pltpu.CompilerParams(
            dimension_semantics=("parallel",)),
    )(packed_t, features, w1ab, w1c, b1, w2, b2, w3t, b3)


def kernel(port_idx, protocol_idx, features, port_table, proto_table,
           W1, b1, W2, b2, W3, b3):
    b = port_idx.shape[0]
    info = plsc.get_sparse_core_info()
    nc, ns = info.num_cores, info.num_subcores

    table4 = port_table.T.reshape(4, 8, 512, 128).transpose(0, 2, 1, 3)
    packed_t = _sc_gather_t(table4, port_idx.astype(jnp.int32),
                            proto_table.T, protocol_idx.astype(jnp.int32),
                            nc=nc, ns=ns, b=b)

    out_t = _mlp(packed_t, features.astype(jnp.bfloat16),
                 W1[:PACK_DIM], W1[PACK_DIM:].astype(jnp.bfloat16),
                 b1.reshape(1, -1), W2, b2.reshape(1, -1),
                 W3.T, b3.reshape(-1, 1), bm=4096)
    return out_t.T

# --- scband reference (transcript-rebuilt; emitter-appended) ---
"""Pipeline reference for scband-deep-flow-network-12343736009049 (READ-ONLY COPY).

The authoritative reference and input builder live on the scoring server;
editing this copy changes nothing except your own understanding.
"""

import jax, jax.numpy as jnp
import numpy as np

B = 16384
FEAT = 128          # x[2] feature dim = input_dim - 2
PORT_DIM = 32
PROTO_DIM = 8
N_INPUTS = 130 + 6 + PORT_DIM  # 168 == PORT_DIM + PROTO_DIM + FEAT
OUT = 64


def setup_inputs(seed: int = 0) -> dict:
    key = jax.random.key(seed)
    ks = jax.random.split(key, 12)
    port_idx = jax.random.randint(ks[0], (B,), 0, 65536, dtype=jnp.int64 if jax.config.jax_enable_x64 else jnp.int32)
    protocol_idx = jax.random.randint(ks[1], (B,), 0, 256, dtype=jnp.int64 if jax.config.jax_enable_x64 else jnp.int32)
    features = jax.random.normal(ks[2], (B, FEAT), dtype=jnp.float32)
    port_table = jax.random.normal(ks[3], (65536, PORT_DIM), dtype=jnp.float32)
    proto_table = jax.random.normal(ks[4], (256, PROTO_DIM), dtype=jnp.float32)
    W1 = jax.random.normal(ks[5], (N_INPUTS, 256), dtype=jnp.float32) * (1.0 / np.sqrt(N_INPUTS))
    b1 = jnp.zeros((256,), dtype=jnp.float32)
    W2 = jax.random.normal(ks[6], (256, 256), dtype=jnp.float32) * (1.0 / np.sqrt(256))
    b2 = jnp.zeros((256,), dtype=jnp.float32)
    W3 = jax.random.normal(ks[7], (256, OUT), dtype=jnp.float32) * (1.0 / np.sqrt(256))
    b3 = jnp.zeros((OUT,), dtype=jnp.float32)
    return {"port_idx": port_idx, "protocol_idx": protocol_idx, "features": features,
            "port_table": port_table, "proto_table": proto_table,
            "W1": W1, "b1": b1, "W2": W2, "b2": b2, "W3": W3, "b3": b3}


def reference(port_idx, protocol_idx, features, port_table, proto_table, W1, b1, W2, b2, W3, b3):
    port_emb = jnp.take(port_table, port_idx, axis=0)
    protocol_emb = jnp.take(proto_table, protocol_idx, axis=0)
    renew = jnp.concatenate([port_emb, protocol_emb, features], axis=1)
    renew = jax.nn.relu(renew @ W1 + b1)
    renew = jax.nn.relu(renew @ W2 + b2)
    return renew @ W3 + b3

if __name__ == "__main__":
    import jax
    _d = setup_inputs()
    print(jax.jit(kernel)(*tuple(_d.values())))

</pallas_src>

<mosaic_0001>
#map = affine_map<(d0, d1) -> (0, 0, 0, 0)>
#map1 = affine_map<(d0, d1) -> (0)>
#map2 = affine_map<(d0, d1) -> (0, 0)>
module attributes {stable_mosaic.version = 14 : i64} {
  func.func @gather(%arg0: i32, %arg1: i32, %arg2: memref<4x512x8x128xf32, #tpu.memory_space<hbm>>, %arg3: memref<16384xi32, #tpu.memory_space<hbm>>, %arg4: memref<8x256xf32, #tpu.memory_space<hbm>>, %arg5: memref<16384xi32, #tpu.memory_space<hbm>>, %arg6: memref<40x16384xf32, #tpu.memory_space<hbm>>, %arg7: memref<512x128xf32, #tpu.memory_space<vmem>>, %arg8: memref<256xf32, #tpu.memory_space<vmem>>, %arg9: memref<16384xi32, #tpu.memory_space<vmem>>, %arg10: memref<4096xi32, #tpu.memory_space<vmem>>, %arg11: memref<16384xf32, #tpu.memory_space<vmem>>, %arg12: memref<4096xf32, #tpu.memory_space<vmem>>, %arg13: memref<!tpu.dma_semaphore, #tpu.memory_space<semaphore_mem>>) attributes {dimension_semantics = [#tpu.dimension_semantics<core_parallel>, #tpu.dimension_semantics<subcore_parallel>], iteration_bounds = array<i64: 2, 16>, scalar_prefetch = 0 : i64, scratch_operands = 7 : i64, tpu.core_type = #tpu.core_type<sc_vector_subcore>, window_params = [{transform_indices = #map}, {transform_indices = #map1}, {transform_indices = #map2}, {transform_indices = #map1}, {transform_indices = #map2}]} {
    %mul3A = arith.constant 2 : i32
    %mul3A_0 = arith.muli %arg1, %mul3A : i32
    %add3A = arith.addi %mul3A_0, %arg0 : i32
    %jit3A = arith.constant 8 : i32
    %eq3A = arith.constant 0 : i32
    %eq3A_1 = arith.cmpi eq, %jit3A, %eq3A : i32
    %jit3A_2 = arith.constant 1 : i32
    %select_n3A = arith.select %eq3A_1, %jit3A_2, %jit3A : i32
    %rem3A = arith.remsi %add3A, %select_n3A : i32
    %ne3A = arith.constant 0 : i32
    %ne3A_3 = arith.cmpi ne, %rem3A, %ne3A : i32
    %lt3A = arith.constant 0 : i32
    %lt3A_4 = arith.cmpi slt, %rem3A, %lt3A : i32
    %lt3A_5 = arith.constant 0 : i32
    %lt3A_6 = arith.cmpi slt, %select_n3A, %lt3A_5 : i32
    %ne3A_7 = arith.xori %lt3A_4, %lt3A_6 : i1
    %and3A = arith.andi %ne3A_7, %ne3A_3 : i1
    %add3A_8 = arith.addi %rem3A, %select_n3A : i32
    %select_n3A_9 = arith.select %and3A, %add3A_8, %rem3A : i32
    %jit3A_10 = arith.constant 8 : i32
    %div3A = arith.divsi %add3A, %jit3A_10 : i32
    %sign3A = arith.constant 0 : i32
    %sign3A_11 = arith.cmpi sgt, %add3A, %sign3A : i32
    %sign3A_12 = arith.extui %sign3A_11 : i1 to i32
    %sign3A_13 = arith.constant 0 : i32
    %sign3A_14 = arith.cmpi slt, %add3A, %sign3A_13 : i32
    %sign3A_15 = arith.extui %sign3A_14 : i1 to i32
    %sign3A_16 = arith.subi %sign3A_12, %sign3A_15 : i32
    %sign3A_17 = arith.constant 0 : i32
    %sign3A_18 = arith.cmpi sgt, %jit3A_10, %sign3A_17 : i32
    %sign3A_19 = arith.extui %sign3A_18 : i1 to i32
    %sign3A_20 = arith.constant 0 : i32
    %sign3A_21 = arith.cmpi slt, %jit3A_10, %sign3A_20 : i32
    %sign3A_22 = arith.extui %sign3A_21 : i1 to i32
    %sign3A_23 = arith.subi %sign3A_19, %sign3A_22 : i32
    %ne3A_24 = arith.cmpi ne, %sign3A_16, %sign3A_23 : i32
    %rem3A_25 = arith.remsi %add3A, %jit3A_10 : i32
    %ne3A_26 = arith.constant 0 : i32
    %ne3A_27 = arith.cmpi ne, %rem3A_25, %ne3A_26 : i32
    %and3A_28 = arith.andi %ne3A_24, %ne3A_27 : i1
    %sub3A = arith.constant 1 : i32
    %sub3A_29 = arith.subi %div3A, %sub3A : i32
    %select_n3A_30 = arith.select %and3A_28, %sub3A_29, %div3A : i32
    %mul3A_31 = arith.constant 4096 : i32
    %mul3A_32 = arith.muli %select_n3A_30, %mul3A_31 : i32
    %jit3A_33 = arith.constant 8 : i32
    %div3A_34 = arith.divsi %add3A, %jit3A_33 : i32
    %sign3A_35 = arith.constant 0 : i32
    %sign3A_36 = arith.cmpi sgt, %add3A, %sign3A_35 : i32
    %sign3A_37 = arith.extui %sign3A_36 : i1 to i32
    %sign3A_38 = arith.constant 0 : i32
    %sign3A_39 = arith.cmpi slt, %add3A, %sign3A_38 : i32
    %sign3A_40 = arith.extui %sign3A_39 : i1 to i32
    %sign3A_41 = arith.subi %sign3A_37, %sign3A_40 : i32
    %sign3A_42 = arith.constant 0 : i32
    %sign3A_43 = arith.cmpi sgt, %jit3A_33, %sign3A_42 : i32
    %sign3A_44 = arith.extui %sign3A_43 : i1 to i32
    %sign3A_45 = arith.constant 0 : i32
    %sign3A_46 = arith.cmpi slt, %jit3A_33, %sign3A_45 : i32
    %sign3A_47 = arith.extui %sign3A_46 : i1 to i32
    %sign3A_48 = arith.subi %sign3A_44, %sign3A_47 : i32
    %ne3A_49 = arith.cmpi ne, %sign3A_41, %sign3A_48 : i32
    %rem3A_50 = arith.remsi %add3A, %jit3A_33 : i32
    %ne3A_51 = arith.constant 0 : i32
    %ne3A_52 = arith.cmpi ne, %rem3A_50, %ne3A_51 : i32
    %and3A_53 = arith.andi %ne3A_49, %ne3A_52 : i1
    %sub3A_54 = arith.constant 1 : i32
    %sub3A_55 = arith.subi %div3A_34, %sub3A_54 : i32
    %select_n3A_56 = arith.select %and3A_53, %sub3A_55, %div3A_34 : i32
    %jit3A_57 = arith.constant 8 : i32
    %eq3A_58 = arith.constant 0 : i32
    %eq3A_59 = arith.cmpi eq, %jit3A_57, %eq3A_58 : i32
    %jit3A_60 = arith.constant 1 : i32
    %select_n3A_61 = arith.select %eq3A_59, %jit3A_60, %jit3A_57 : i32
    %rem3A_62 = arith.remsi %add3A, %select_n3A_61 : i32
    %ne3A_63 = arith.constant 0 : i32
    %ne3A_64 = arith.cmpi ne, %rem3A_62, %ne3A_63 : i32
    %lt3A_65 = arith.constant 0 : i32
    %lt3A_66 = arith.cmpi slt, %rem3A_62, %lt3A_65 : i32
    %lt3A_67 = arith.constant 0 : i32
    %lt3A_68 = arith.cmpi slt, %select_n3A_61, %lt3A_67 : i32
    %ne3A_69 = arith.xori %lt3A_66, %lt3A_68 : i1
    %and3A_70 = arith.andi %ne3A_69, %ne3A_64 : i1
    %add3A_71 = arith.addi %rem3A_62, %select_n3A_61 : i32
    %select_n3A_72 = arith.select %and3A_70, %add3A_71, %rem3A_62 : i32
    %dma_start3A = arith.constant 0 : i32
    %dma_start3A_73 = arith.constant 0 : i32
    %dma_start3A_74 = tpu.memref_slice %arg2[%select_n3A_56, %dma_start3A, %select_n3A_72, %dma_start3A_73] : memref<4x512x8x128xf32, #tpu.memory_space<hbm>> -> memref<1x512x1x128xf32, #tpu.memory_space<hbm>>
    %dma_start3A_75 = tpu.memref_squeeze %dma_start3A_74 : memref<1x512x1x128xf32, #tpu.memory_space<hbm>> -> memref<512x128xf32, #tpu.memory_space<hbm>>
    %dma_start3A_76 = arith.constant 0 : i32
    %dma_start3A_77 = arith.constant 0 : i32
    %dma_start3A_78 = tpu.memref_slice %arg2[%select_n3A_56, %dma_start3A_76, %select_n3A_72, %dma_start3A_77] : memref<4x512x8x128xf32, #tpu.memory_space<hbm>> -> memref<1x512x1x128xf32, #tpu.memory_space<hbm>>
    %dma_start3A_79 = tpu.memref_squeeze %dma_start3A_78 : memref<1x512x1x128xf32, #tpu.memory_space<hbm>> -> memref<512x128xf32, #tpu.memory_space<hbm>>
    tpu.enqueue_dma source(%dma_start3A_79 : memref<512x128xf32, #tpu.memory_space<hbm>>) target(%arg7 : memref<512x128xf32, #tpu.memory_space<vmem>>) target_semaphore(%arg13 : memref<!tpu.dma_semaphore, #tpu.memory_space<semaphore_mem>>)
    %dma_start3A_80 = arith.constant 0 : i32
    %dma_start3A_81 = tpu.memref_slice %arg4[%select_n3A_9, %dma_start3A_80] : memref<8x256xf32, #tpu.memory_space<hbm>> -> memref<1x256xf32, #tpu.memory_space<hbm>>
    %dma_start3A_82 = tpu.memref_squeeze %dma_start3A_81 : memref<1x256xf32, #tpu.memory_space<hbm>> -> memref<256xf32, #tpu.memory_space<hbm>>
    %dma_start3A_83 = arith.constant 0 : i32
    %dma_start3A_84 = tpu.memref_slice %arg4[%select_n3A_9, %dma_start3A_83] : memref<8x256xf32, #tpu.memory_space<hbm>> -> memref<1x256xf32, #tpu.memory_space<hbm>>
    %dma_start3A_85 = tpu.memref_squeeze %dma_start3A_84 : memref<1x256xf32, #tpu.memory_space<hbm>> -> memref<256xf32, #tpu.memory_space<hbm>>
    tpu.enqueue_dma source(%dma_start3A_85 : memref<256xf32, #tpu.memory_space<hbm>>) target(%arg8 : memref<256xf32, #tpu.memory_space<vmem>>) target_semaphore(%arg13 : memref<!tpu.dma_semaphore, #tpu.memory_space<semaphore_mem>>)
    tpu.enqueue_dma source(%arg3 : memref<16384xi32, #tpu.memory_space<hbm>>) target(%arg9 : memref<16384xi32, #tpu.memory_space<vmem>>) target_semaphore(%arg13 : memref<!tpu.dma_semaphore, #tpu.memory_space<semaphore_mem>>)
    %dma_start3A_86 = tpu.memref_slice %arg5[%mul3A_32] : memref<16384xi32, #tpu.memory_space<hbm>> -> memref<4096xi32, #tpu.memory_space<hbm>>
    %dma_start3A_87 = tpu.memref_slice %arg5[%mul3A_32] : memref<16384xi32, #tpu.memory_space<hbm>> -> memref<4096xi32, #tpu.memory_space<hbm>>
    tpu.enqueue_dma source(%dma_start3A_87 : memref<4096xi32, #tpu.memory_space<hbm>>) target(%arg10 : memref<4096xi32, #tpu.memory_space<vmem>>) target_semaphore(%arg13 : memref<!tpu.dma_semaphore, #tpu.memory_space<semaphore_mem>>)
    %dma_wait3A = arith.constant 0 : i32
    %dma_wait3A_88 = arith.constant 0 : i32
    %dma_wait3A_89 = tpu.memref_slice %arg2[%select_n3A_56, %dma_wait3A, %select_n3A_72, %dma_wait3A_88] : memref<4x512x8x128xf32, #tpu.memory_space<hbm>> -> memref<1x512x1x128xf32, #tpu.memory_space<hbm>>
    %dma_wait3A_90 = tpu.memref_squeeze %dma_wait3A_89 : memref<1x512x1x128xf32, #tpu.memory_space<hbm>> -> memref<512x128xf32, #tpu.memory_space<hbm>>
    %dma_wait3A_91 = arith.constant 0 : i32
    %dma_wait3A_92 = arith.constant 0 : i32
    %dma_wait3A_93 = tpu.memref_slice %arg2[%select_n3A_56, %dma_wait3A_91, %select_n3A_72, %dma_wait3A_92] : memref<4x512x8x128xf32, #tpu.memory_space<hbm>> -> memref<1x512x1x128xf32, #tpu.memory_space<hbm>>
    %dma_wait3A_94 = tpu.memref_squeeze %dma_wait3A_93 : memref<1x512x1x128xf32, #tpu.memory_space<hbm>> -> memref<512x128xf32, #tpu.memory_space<hbm>>
    tpu.wait_dma2 semaphore(%arg13 : memref<!tpu.dma_semaphore, #tpu.memory_space<semaphore_mem>>) src(%dma_wait3A_94 : memref<512x128xf32, #tpu.memory_space<hbm>>) dst(%arg7 : memref<512x128xf32, #tpu.memory_space<vmem>>)
    %dma_wait3A_95 = arith.constant 0 : i32
    %dma_wait3A_96 = tpu.memref_slice %arg4[%select_n3A_9, %dma_wait3A_95] : memref<8x256xf32, #tpu.memory_space<hbm>> -> memref<1x256xf32, #tpu.memory_space<hbm>>
    %dma_wait3A_97 = tpu.memref_squeeze %dma_wait3A_96 : memref<1x256xf32, #tpu.memory_space<hbm>> -> memref<256xf32, #tpu.memory_space<hbm>>
    %dma_wait3A_98 = arith.constant 0 : i32
    %dma_wait3A_99 = tpu.memref_slice %arg4[%select_n3A_9, %dma_wait3A_98] : memref<8x256xf32, #tpu.memory_space<hbm>> -> memref<1x256xf32, #tpu.memory_space<hbm>>
    %dma_wait3A_100 = tpu.memref_squeeze %dma_wait3A_99 : memref<1x256xf32, #tpu.memory_space<hbm>> -> memref<256xf32, #tpu.memory_space<hbm>>
    tpu.wait_dma2 semaphore(%arg13 : memref<!tpu.dma_semaphore, #tpu.memory_space<semaphore_mem>>) src(%dma_wait3A_100 : memref<256xf32, #tpu.memory_space<hbm>>) dst(%arg8 : memref<256xf32, #tpu.memory_space<vmem>>)
    tpu.wait_dma2 semaphore(%arg13 : memref<!tpu.dma_semaphore, #tpu.memory_space<semaphore_mem>>) src(%arg3 : memref<16384xi32, #tpu.memory_space<hbm>>) dst(%arg9 : memref<16384xi32, #tpu.memory_space<vmem>>)
    %dma_wait3A_101 = tpu.memref_slice %arg5[%mul3A_32] : memref<16384xi32, #tpu.memory_space<hbm>> -> memref<4096xi32, #tpu.memory_space<hbm>>
    %dma_wait3A_102 = tpu.memref_slice %arg5[%mul3A_32] : memref<16384xi32, #tpu.memory_space<hbm>> -> memref<4096xi32, #tpu.memory_space<hbm>>
    tpu.wait_dma2 semaphore(%arg13 : memref<!tpu.dma_semaphore, #tpu.memory_space<semaphore_mem>>) src(%dma_wait3A_102 : memref<4096xi32, #tpu.memory_space<hbm>>) dst(%arg10 : memref<4096xi32, #tpu.memory_space<vmem>>)
    %parallel_loop3A = arith.constant 0 : i32
    %parallel_loop3A_103 = arith.constant 1024 : i32
    %parallel_loop3A_104 = arith.constant 1 : i32
    scf.for %parallel_loop3A_110 = %parallel_loop3A to %parallel_loop3A_103 step %parallel_loop3A_104  : i32 {
      %parallel_loop3A_111 = arith.constant 16 : i32
      %parallel_loop3A_112 = arith.muli %parallel_loop3A_110, %parallel_loop3A_111 : i32
      %parallel_loop3A_113 = arith.index_cast %parallel_loop3A_112 : i32 to index
      %parallel_loop3A_114 = tpu.vector_load %arg9[%parallel_loop3A_113] {strides = array<i32>} : memref<16384xi32, #tpu.memory_space<vmem>>, vector<16xi32>,
      %parallel_loop3A_115 = arith.constant 7 : i32
      %parallel_loop3A_116 = vector.broadcast %parallel_loop3A_115 : i32 to vector<16xi32>
      %parallel_loop3A_117 = arith.shrui %parallel_loop3A_114, %parallel_loop3A_116 : vector<16xi32>
      %parallel_loop3A_118 = arith.constant 127 : i32
      %parallel_loop3A_119 = vector.broadcast %parallel_loop3A_118 : i32 to vector<16xi32>
      %parallel_loop3A_120 = arith.andi %parallel_loop3A_114, %parallel_loop3A_119 : vector<16xi32>
      %parallel_loop3A_121 = tpu.vector_load_idx %arg7[%parallel_loop3A_117, %parallel_loop3A_120] : memref<512x128xf32, #tpu.memory_space<vmem>>[vector<16xi32>, vector<16xi32>], vector<16xf32>,
      %parallel_loop3A_122 = arith.constant 16 : i32
      %parallel_loop3A_123 = arith.muli %parallel_loop3A_110, %parallel_loop3A_122 : i32
      %parallel_loop3A_124 = arith.index_cast %parallel_loop3A_123 : i32 to index
      %parallel_loop3A_125 = tpu.vector_load %arg11[%parallel_loop3A_124] {strides = array<i32>} : memref<16384xf32, #tpu.memory_space<vmem>>, vector<16xf32>,
      tpu.vector_store %arg11[%parallel_loop3A_124], %parallel_loop3A_121 {strides = array<i32>} : memref<16384xf32, #tpu.memory_space<vmem>>, vector<16xf32>,
    } {sc.loop_unroll_factor = 16 : i64, sc.parallel_access}
    %parallel_loop3A_105 = arith.constant 0 : i32
    %parallel_loop3A_106 = arith.constant 256 : i32
    %parallel_loop3A_107 = arith.constant 1 : i32
    scf.for %parallel_loop3A_110 = %parallel_loop3A_105 to %parallel_loop3A_106 step %parallel_loop3A_107  : i32 {
      %parallel_loop3A_111 = arith.constant 16 : i32
      %parallel_loop3A_112 = arith.muli %parallel_loop3A_110, %parallel_loop3A_111 : i32
      %parallel_loop3A_113 = arith.index_cast %parallel_loop3A_112 : i32 to index
      %parallel_loop3A_114 = tpu.vector_load %arg10[%parallel_loop3A_113] {strides = array<i32>} : memref<4096xi32, #tpu.memory_space<vmem>>, vector<16xi32>,
      %parallel_loop3A_115 = tpu.vector_load_idx %arg8[%parallel_loop3A_114] : memref<256xf32, #tpu.memory_space<vmem>>[vector<16xi32>], vector<16xf32>,
      %parallel_loop3A_116 = arith.constant 16 : i32
      %parallel_loop3A_117 = arith.muli %parallel_loop3A_110, %parallel_loop3A_116 : i32
      %parallel_loop3A_118 = arith.index_cast %parallel_loop3A_117 : i32 to index
      %parallel_loop3A_119 = tpu.vector_load %arg12[%parallel_loop3A_118] {strides = array<i32>} : memref<4096xf32, #tpu.memory_space<vmem>>, vector<16xf32>,
      tpu.vector_store %arg12[%parallel_loop3A_118], %parallel_loop3A_115 {strides = array<i32>} : memref<4096xf32, #tpu.memory_space<vmem>>, vector<16xf32>,
    } {sc.loop_unroll_factor = 16 : i64, sc.parallel_access}
    "tpu.region"() ({
      %run_scoped3A = tpu.sem_alloc : memref<!tpu.dma_semaphore, #tpu.memory_space<semaphore_mem>>
      %dma_start3A_110 = arith.constant 0 : i32
      %dma_start3A_111 = tpu.memref_slice %arg6[%add3A, %dma_start3A_110] : memref<40x16384xf32, #tpu.memory_space<hbm>> -> memref<1x16384xf32, #tpu.memory_space<hbm>>
      %dma_start3A_112 = tpu.memref_squeeze %dma_start3A_111 : memref<1x16384xf32, #tpu.memory_space<hbm>> -> memref<16384xf32, #tpu.memory_space<hbm>>
      %dma_start3A_113 = arith.constant 0 : i32
      %dma_start3A_114 = tpu.memref_slice %arg6[%add3A, %dma_start3A_113] : memref<40x16384xf32, #tpu.memory_space<hbm>> -> memref<1x16384xf32, #tpu.memory_space<hbm>>
      %dma_start3A_115 = tpu.memref_squeeze %dma_start3A_114 : memref<1x16384xf32, #tpu.memory_space<hbm>> -> memref<16384xf32, #tpu.memory_space<hbm>>
      tpu.enqueue_dma source(%arg11 : memref<16384xf32, #tpu.memory_space<vmem>>) target(%dma_start3A_115 : memref<16384xf32, #tpu.memory_space<hbm>>) target_semaphore(%run_scoped3A : memref<!tpu.dma_semaphore, #tpu.memory_space<semaphore_mem>>)
      %dma_wait3A_116 = arith.constant 0 : i32
      %dma_wait3A_117 = tpu.memref_slice %arg6[%add3A, %dma_wait3A_116] : memref<40x16384xf32, #tpu.memory_space<hbm>> -> memref<1x16384xf32, #tpu.memory_space<hbm>>
      %dma_wait3A_118 = tpu.memref_squeeze %dma_wait3A_117 : memref<1x16384xf32, #tpu.memory_space<hbm>> -> memref<16384xf32, #tpu.memory_space<hbm>>
      %dma_wait3A_119 = arith.constant 0 : i32
      %dma_wait3A_120 = tpu.memref_slice %arg6[%add3A, %dma_wait3A_119] : memref<40x16384xf32, #tpu.memory_space<hbm>> -> memref<1x16384xf32, #tpu.memory_space<hbm>>
      %dma_wait3A_121 = tpu.memref_squeeze %dma_wait3A_120 : memref<1x16384xf32, #tpu.memory_space<hbm>> -> memref<16384xf32, #tpu.memory_space<hbm>>
      tpu.wait_dma2 semaphore(%run_scoped3A : memref<!tpu.dma_semaphore, #tpu.memory_space<semaphore_mem>>) src(%arg11 : memref<16384xf32, #tpu.memory_space<vmem>>) dst(%dma_wait3A_121 : memref<16384xf32, #tpu.memory_space<hbm>>)
      tpu.yield
    }) : () -> ()
    %add3A_108 = arith.constant 32 : i32
    %add3A_109 = arith.addi %add3A_108, %select_n3A_9 : i32
    "tpu.region"() ({
      %run_scoped3A = tpu.sem_alloc : memref<!tpu.dma_semaphore, #tpu.memory_space<semaphore_mem>>
      %dma_start3A_110 = tpu.memref_slice %arg6[%add3A_109, %mul3A_32] : memref<40x16384xf32, #tpu.memory_space<hbm>> -> memref<1x4096xf32, #tpu.memory_space<hbm>>
      %dma_start3A_111 = tpu.memref_squeeze %dma_start3A_110 : memref<1x4096xf32, #tpu.memory_space<hbm>> -> memref<4096xf32, #tpu.memory_space<hbm>>
      %dma_start3A_112 = tpu.memref_slice %arg6[%add3A_109, %mul3A_32] : memref<40x16384xf32, #tpu.memory_space<hbm>> -> memref<1x4096xf32, #tpu.memory_space<hbm>>
      %dma_start3A_113 = tpu.memref_squeeze %dma_start3A_112 : memref<1x4096xf32, #tpu.memory_space<hbm>> -> memref<4096xf32, #tpu.memory_space<hbm>>
      tpu.enqueue_dma source(%arg12 : memref<4096xf32, #tpu.memory_space<vmem>>) target(%dma_start3A_113 : memref<4096xf32, #tpu.memory_space<hbm>>) target_semaphore(%run_scoped3A : memref<!tpu.dma_semaphore, #tpu.memory_space<semaphore_mem>>)
      %dma_wait3A_114 = tpu.memref_slice %arg6[%add3A_109, %mul3A_32] : memref<40x16384xf32, #tpu.memory_space<hbm>> -> memref<1x4096xf32, #tpu.memory_space<hbm>>
      %dma_wait3A_115 = tpu.memref_squeeze %dma_wait3A_114 : memref<1x4096xf32, #tpu.memory_space<hbm>> -> memref<4096xf32, #tpu.memory_space<hbm>>
      %dma_wait3A_116 = tpu.memref_slice %arg6[%add3A_109, %mul3A_32] : memref<40x16384xf32, #tpu.memory_space<hbm>> -> memref<1x4096xf32, #tpu.memory_space<hbm>>
      %dma_wait3A_117 = tpu.memref_squeeze %dma_wait3A_116 : memref<1x4096xf32, #tpu.memory_space<hbm>> -> memref<4096xf32, #tpu.memory_space<hbm>>
      tpu.wait_dma2 semaphore(%run_scoped3A : memref<!tpu.dma_semaphore, #tpu.memory_space<semaphore_mem>>) src(%arg12 : memref<4096xf32, #tpu.memory_space<vmem>>) dst(%dma_wait3A_117 : memref<4096xf32, #tpu.memory_space<hbm>>)
      tpu.yield
    }) : () -> ()
    return
  }
}

module attributes {stable_mosaic.version = 14 : i64} {
  func.func @_mlp_body(%arg0: i32, %arg1: memref<40x4096xf32, #tpu.memory_space<vmem>>, %arg2: memref<4096x128xbf16, #tpu.memory_space<vmem>>, %arg3: memref<40x256xf32, #tpu.memory_space<vmem>>, %arg4: memref<128x256xbf16, #tpu.memory_space<vmem>>, %arg5: memref<1x256xf32, #tpu.memory_space<vmem>>, %arg6: memref<256x256xf32, #tpu.memory_space<vmem>>, %arg7: memref<1x256xf32, #tpu.memory_space<vmem>>, %arg8: memref<64x256xf32, #tpu.memory_space<vmem>>, %arg9: memref<64x1xf32, #tpu.memory_space<vmem>>, %arg10: memref<64x4096xf32, #tpu.memory_space<vmem>>) attributes {dimension_semantics = [#tpu.dimension_semantics<parallel>], iteration_bounds = array<i64: 4>, scalar_prefetch = 0 : i64, scratch_operands = 0 : i64, tpu.core_type = #tpu.core_type<tc>, window_params = [{transform_indices = @transform_0, window_bounds = array<i64: 40, 4096>}, {transform_indices = @transform_1, window_bounds = array<i64: 4096, 128>}, {pipeline_mode = #tpu.pipeline_mode<synchronous>, transform_indices = @transform_2, window_bounds = array<i64: 40, 256>}, {pipeline_mode = #tpu.pipeline_mode<synchronous>, transform_indices = @transform_3, window_bounds = array<i64: 128, 256>}, {pipeline_mode = #tpu.pipeline_mode<synchronous>, transform_indices = @transform_4, window_bounds = array<i64: 1, 256>}, {pipeline_mode = #tpu.pipeline_mode<synchronous>, transform_indices = @transform_5, window_bounds = array<i64: 256, 256>}, {pipeline_mode = #tpu.pipeline_mode<synchronous>, transform_indices = @transform_6, window_bounds = array<i64: 1, 256>}, {pipeline_mode = #tpu.pipeline_mode<synchronous>, transform_indices = @transform_7, window_bounds = array<i64: 64, 256>}, {pipeline_mode = #tpu.pipeline_mode<synchronous>, transform_indices = @transform_8, window_bounds = array<i64: 64, 1>}, {transform_indices = @transform_9, window_bounds = array<i64: 64, 4096>}]} {
    %get3A = arith.constant 0 : index
    %get3A_0 = arith.constant 0 : index
    %get3A_1 = vector.load %arg2[%get3A, %get3A_0] : memref<4096x128xbf16, #tpu.memory_space<vmem>>, vector<4096x128xbf16>
    %get3A_2 = arith.constant 0 : index
    %get3A_3 = arith.constant 0 : index
    %get3A_4 = vector.load %arg4[%get3A_2, %get3A_3] : memref<128x256xbf16, #tpu.memory_space<vmem>>, vector<128x256xbf16>
    %dot_general3A = arith.constant dense<0.000000e+00> : vector<4096x256xf32>
    %dot_general3A_5 = tpu.matmul %get3A_1, %get3A_4, %dot_general3A {dimension_numbers = #tpu.dot_dimension_numbers<[1], [0], [0], [1], [0, 0, 1, 1], [], []>, transpose_lhs_hint = false} : vector<4096x128xbf16>, vector<128x256xbf16>, vector<4096x256xf32> -> vector<4096x256xf32>
    %get3A_6 = arith.constant 0 : index
    %get3A_7 = arith.constant 0 : index
    %get3A_8 = vector.load %arg1[%get3A_6, %get3A_7] : memref<40x4096xf32, #tpu.memory_space<vmem>>, vector<40x4096xf32>
    %get3A_9 = arith.constant 0 : index
    %get3A_10 = arith.constant 0 : index
    %get3A_11 = vector.load %arg3[%get3A_9, %get3A_10] : memref<40x256xf32, #tpu.memory_space<vmem>>, vector<40x256xf32>
    %dot_general3A_12 = arith.constant dense<0.000000e+00> : vector<4096x256xf32>
    %dot_general3A_13 = tpu.matmul %get3A_8, %get3A_11, %dot_general3A_12 {dimension_numbers = #tpu.dot_dimension_numbers<[0], [0], [1], [1], [0, 1, 1, 1], [], []>, transpose_lhs_hint = false} : vector<40x4096xf32>, vector<40x256xf32>, vector<4096x256xf32> -> vector<4096x256xf32>
    %add3A = arith.addf %dot_general3A_5, %dot_general3A_13 : vector<4096x256xf32>
    %get3A_14 = arith.constant 0 : index
    %get3A_15 = arith.constant 0 : index
    %get3A_16 = vector.load %arg5[%get3A_14, %get3A_15] : memref<1x256xf32, #tpu.memory_space<vmem>>, vector<1x256xf32>
    %add3A_17 = vector.broadcast %get3A_16 : vector<1x256xf32> to vector<4096x256xf32>
    %add3A_18 = arith.addf %add3A, %add3A_17 : vector<4096x256xf32>
    %max3A = arith.constant 0.000000e+00 : f32
    %max3A_19 = vector.broadcast %max3A : f32 to vector<4096x256xf32>
    %max3A_20 = arith.maximumf %add3A_18, %max3A_19 : vector<4096x256xf32>
    %get3A_21 = arith.constant 0 : index
    %get3A_22 = arith.constant 0 : index
    %get3A_23 = vector.load %arg6[%get3A_21, %get3A_22] : memref<256x256xf32, #tpu.memory_space<vmem>>, vector<256x256xf32>
    %dot_general3A_24 = arith.constant dense<0.000000e+00> : vector<4096x256xf32>
    %dot_general3A_25 = tpu.matmul %max3A_20, %get3A_23, %dot_general3A_24 {dimension_numbers = #tpu.dot_dimension_numbers<[1], [0], [0], [1], [0, 0, 1, 1], [], []>, transpose_lhs_hint = false} : vector<4096x256xf32>, vector<256x256xf32>, vector<4096x256xf32> -> vector<4096x256xf32>
    %get3A_26 = arith.constant 0 : index
    %get3A_27 = arith.constant 0 : index
    %get3A_28 = vector.load %arg7[%get3A_26, %get3A_27] : memref<1x256xf32, #tpu.memory_space<vmem>>, vector<1x256xf32>
    %add3A_29 = vector.broadcast %get3A_28 : vector<1x256xf32> to vector<4096x256xf32>
    %add3A_30 = arith.addf %dot_general3A_25, %add3A_29 : vector<4096x256xf32>
    %max3A_31 = arith.constant 0.000000e+00 : f32
    %max3A_32 = vector.broadcast %max3A_31 : f32 to vector<4096x256xf32>
    %max3A_33 = arith.maximumf %add3A_30, %max3A_32 : vector<4096x256xf32>
    %get3A_34 = arith.constant 0 : index
    %get3A_35 = arith.constant 0 : index
    %get3A_36 = vector.load %arg8[%get3A_34, %get3A_35] : memref<64x256xf32, #tpu.memory_space<vmem>>, vector<64x256xf32>
    %dot_general3A_37 = arith.constant dense<0.000000e+00> : vector<64x4096xf32>
    %dot_general3A_38 = tpu.matmul %get3A_36, %max3A_33, %dot_general3A_37 {dimension_numbers = #tpu.dot_dimension_numbers<[1], [1], [0], [0], [0, 0, 1, 0], [], []>, transpose_lhs_hint = false} : vector<64x256xf32>, vector<4096x256xf32>, vector<64x4096xf32> -> vector<64x4096xf32>
    %get3A_39 = arith.constant 0 : index
    %get3A_40 = arith.constant 0 : index
    %get3A_41 = vector.load %arg9[%get3A_39, %get3A_40] : memref<64x1xf32, #tpu.memory_space<vmem>>, vector<64x1xf32>
    %add3A_42 = vector.broadcast %get3A_41 : vector<64x1xf32> to vector<64x4096xf32>
    %add3A_43 = arith.addf %dot_general3A_38, %add3A_42 : vector<64x4096xf32>
    %swap3A = arith.constant 0 : index
    %swap3A_44 = arith.constant 0 : index
    %swap3A_45 = vector.load %arg10[%swap3A, %swap3A_44] : memref<64x4096xf32, #tpu.memory_space<vmem>>, vector<64x4096xf32>
    tpu.vector_store %arg10[%swap3A, %swap3A_44], %add3A_43 {strides = array<i32>} : memref<64x4096xf32, #tpu.memory_space<vmem>>, vector<64x4096xf32>,
    return
  }
  func.func @transform_0(%arg0: i32) -> (i32, i32) {
    %c0_i32 = arith.constant 0 : i32
    %c0_i32_0 = arith.constant 0 : i32
    return %c0_i32, %arg0 : i32, i32
  }
  func.func @transform_1(%arg0: i32) -> (i32, i32) {
    %c0_i32 = arith.constant 0 : i32
    %c0_i32_0 = arith.constant 0 : i32
    return %arg0, %c0_i32 : i32, i32
  }
  func.func @transform_2(%arg0: i32) -> (i32, i32) {
    %c0_i32 = arith.constant 0 : i32
    %c0_i32_0 = arith.constant 0 : i32
    %c0_i32_1 = arith.constant 0 : i32
    return %c0_i32, %c0_i32_0 : i32, i32
  }
  func.func @transform_3(%arg0: i32) -> (i32, i32) {
    %c0_i32 = arith.constant 0 : i32
    %c0_i32_0 = arith.constant 0 : i32
    %c0_i32_1 = arith.constant 0 : i32
    return %c0_i32, %c0_i32_0 : i32, i32
  }
  func.func @transform_4(%arg0: i32) -> (i32, i32) {
    %c0_i32 = arith.constant 0 : i32
    %c0_i32_0 = arith.constant 0 : i32
    %c0_i32_1 = arith.constant 0 : i32
    return %c0_i32, %c0_i32_0 : i32, i32
  }
  func.func @transform_5(%arg0: i32) -> (i32, i32) {
    %c0_i32 = arith.constant 0 : i32
    %c0_i32_0 = arith.constant 0 : i32
    %c0_i32_1 = arith.constant 0 : i32
    return %c0_i32, %c0_i32_0 : i32, i32
  }
  func.func @transform_6(%arg0: i32) -> (i32, i32) {
    %c0_i32 = arith.constant 0 : i32
    %c0_i32_0 = arith.constant 0 : i32
    %c0_i32_1 = arith.constant 0 : i32
    return %c0_i32, %c0_i32_0 : i32, i32
  }
  func.func @transform_7(%arg0: i32) -> (i32, i32) {
    %c0_i32 = arith.constant 0 : i32
    %c0_i32_0 = arith.constant 0 : i32
    %c0_i32_1 = arith.constant 0 : i32
    return %c0_i32, %c0_i32_0 : i32, i32
  }
  func.func @transform_8(%arg0: i32) -> (i32, i32) {
    %c0_i32 = arith.constant 0 : i32
    %c0_i32_0 = arith.constant 0 : i32
    %c0_i32_1 = arith.constant 0 : i32
    return %c0_i32, %c0_i32_0 : i32, i32
  }
  func.func @transform_9(%arg0: i32) -> (i32, i32) {
    %c0_i32 = arith.constant 0 : i32
    %c0_i32_0 = arith.constant 0 : i32
    return %c0_i32, %arg0 : i32, i32
  }
}

</mosaic_0001>

<sc_bundles>
// kernel: kernel.4.cloned.1.call-start
scs
__scs_entry_jumppad:
0x0: {  	(pc) =	sbr.rel $0x88, $3  }
0x1: {  	(tag) =	ssettag $0x0;
	lr =	simm.s32 $0x1  }
0x2: {  	[smem:$0x3F96] =	sst lr;
	_ =	strace $0xD0000000  }
0x3: {  	_ = 	snop  }
0x4: {  	_ = 	snop  }
0x5: {  	_ = 	snop  }
0x6: {  	_ = 	snop  }
0x7: {  	_ = 	snop  }
__scs_overlays_trampoline_lowered:
0x8: {  	[smem:$0x3FA5] =	sst s0  }
0x9: {  	[smem:$0x3FA6] =	sst s1  }
0xa: {  	[smem:$0x3FA7] =	sst s2  }
0xb: {  	[smem:$0x3FA8] =	sst s3  }
0xc: {  	[smem:$0x3FA9] =	sst s4  }
0xd: {  	[smem:$0x3FAA] =	sst s5  }
0xe: {  	[smem:$0x3FAB] =	sst s6  }
0xf: {  	[smem:$0x3FAC] =	sst s7  }
0x10: {  	[smem:$0x3FAD] =	sst s8  }
0x11: {  	[smem:$0x3FAE] =	sst s9;
	s0 =	simm.s32 @!p0 $0x0  }
0x12: {  	s1 =	sld [smem:$0x3F94];
	s0 =	simm.s32 @p0 $0x1  }
0x13: {  	[smem:$0x3FAF] =	sst s0;
	s0 =	simm.s32 @!p1 $0x0  }
0x14: {  	s2 =	sld [smem:$0x3F93];
	s0 =	simm.s32 @p1 $0x1  }
0x15: {  	[smem:$0x3FB0] =	sst s0;
	s0 =	simm.s32 @!p2 $0x0  }
0x16: {  	s3 =	sld [smem:$0x3FDB];
	s0 =	simm.s32 @p2 $0x1  }
0x17: {  	s4 =	simm.s32 $0x1BF5;
	[smem:$0x3FB2] =	sst s0  }
0x18: {  	s0 =	sld [smem:$0x3F95];
	_ =	swait.ge [sflag:s4], $0x0  }
0x19: {  	s7 =	sld [smem:$0x3F96]  }
0x1a: {  	s8 =	sadd.s32 $0xFFFFE003, lr  }
0x1b: {  	s9 =	sadd.s32 $0xFFFFFEF7, lr;
	s5 =	simm.s32 $0xFFFFFFFF;
	p2 =	slt.u32 s8, $0xFFFFF086  }
0x1c: {  	p1 =	slt.u32 s9, $0xF7A;
	s5 =	simm.s32 @!p2 $0x0  }
0x1d: {  	s5 =	simm.s32 @p1 $0x1;
	p0 =	seq.s32 s7, s2  }
0x1e: {  	s7 =	smul.u32 @!p0 $0xF7A, s2;
	p2 =	seq.s32 @!p0 s5, $0x0  }
0x1f: {  	s9 =	smul.u32 $0xF7A, s1;
	s8 =	simm.s32 @!p0 $0x1BF5;
	p2 =	por !p2, p0  }
0x20: {  	[sflag:s8] =	ssyncset.s32 @!p0 $0xFFFFF086;
	s6 =	sadd.s32 @!p0 s3, s7;
	s7 =	simm.s32 @!p0 $0x108  }
0x21: {  	s3 =	sadd.s32 s3, s9;
	s6 =	sadd.s32 @!p0 $0x88, s6;
	s7 =	simm.s32 @p2 $0x1082  }
0x22: {  	[simem:s7], [sflag:s8] =	dma.local @!p0 [hbm:s6], $0xF7A  }
0x23: {  	s9 =	sor.u32 $0xD0000000, s2;
	s6 =	simm.s32 $0x108;
	_ =	swait.ge @!p0 [sflag:s8], $0x0  }
0x24: {  	s3 =	sadd.s32 $0x88, s3;
	s6 =	simm.s32 @!p1 $0x1082;
	[sflag:s4] =	ssyncset.s32 $0xFFFFF086  }
0x25: {  	[simem:s6], [sflag:s4] =	dma.local [hbm:s3], $0xF7A  }
0x26: {  	[smem:$0x3F96] =	sst s1;
	(tag) =	ssettag s2;
	_ =	strace s9  }
0x27: {  	s1 =	sld [smem:$0x3FA6]  }
0x28: {  	s2 =	sld [smem:$0x3FA7]  }
0x29: {  	s4 =	sld [smem:$0x3FA9]  }
0x2a: {  	p0 =	seq.s32 s5, $0x0;
	s5 =	sld [smem:$0x3FAA]  }
0x2b: {  	s6 =	sld [smem:$0x3FAB]  }
0x2c: {  	s7 =	sld [smem:$0x3FAC]  }
0x2d: {  	s3 =	simm.s32 $0x108;
	s8 =	sld [smem:$0x3FAD]  }
0x2e: {  	s3 =	simm.s32 @!p0 $0x1082;
	s9 =	sld [smem:$0x3FAE]  }
0x2f: {  	lr =	sadd.s32 s0, s3;
	s0 =	sld [smem:$0x3FA5]  }
0x30: {  	s3 =	sld [smem:$0x3FA8]  }
0x31: {  	[smem:$0x3FB1] =	sst s10  }
0x32: {  	s10 =	sld [smem:$0x3FAF];
	_ =	sdelay $0x3  }
0x33: {  	p0 =	seq.s32 s10, $0x1;
	s10 =	sld [smem:$0x3FB1];
	_ =	sdelay $0x3  }
0x34: {  	[smem:$0x3FB1] =	sst s10  }
0x35: {  	s10 =	sld [smem:$0x3FB0];
	_ =	sdelay $0x3  }
0x36: {  	p1 =	seq.s32 s10, $0x1;
	s10 =	sld [smem:$0x3FB1];
	_ =	sdelay $0x3  }
0x37: {  	[smem:$0x3FB1] =	sst s10  }
0x38: {  	s10 =	sld [smem:$0x3FB2]  }
0x39: {  	_ = 	snop;
	(pc) =	sbr.ind lr, $3  }
0x3a: {  	_ = 	snop  }
0x3b: {  	_ = 	snop  }
0x3c: {  	p2 =	seq.s32 s10, $0x1;
	s10 =	sld [smem:$0x3FB1]  }
0x3d: {  	_ =	shalt  }
0x3e: {  	_ =	shalt  }
0x3f: {  	_ =	shalt  }
0x40: {  	_ =	shalt  }
0x41: {  	_ =	shalt  }
0x42: {  	_ =	shalt  }
0x43: {  	_ =	shalt  }
0x44: {  	_ =	shalt  }
0x45: {  	_ =	shalt  }
0x46: {  	_ =	shalt  }
0x47: {  	_ =	shalt  }
0x48: {  	_ =	shalt  }
0x49: {  	_ =	shalt  }
0x4a: {  	_ =	shalt  }
0x4b: {  	_ =	shalt  }
0x4c: {  	_ =	shalt  }
0x4d: {  	_ =	shalt  }
0x4e: {  	_ =	shalt  }
0x4f: {  	_ =	shalt  }
0x50: {  	_ =	shalt  }
0x51: {  	_ =	shalt  }
0x52: {  	_ =	shalt  }
0x53: {  	_ =	shalt  }
0x54: {  	_ =	shalt  }
0x55: {  	_ =	shalt  }
0x56: {  	_ =	shalt  }
0x57: {  	_ =	shalt  }
0x58: {  	_ =	shalt  }
0x59: {  	_ =	shalt  }
0x5a: {  	_ =	shalt  }
0x5b: {  	_ =	shalt  }
0x5c: {  	_ =	shalt  }
0x5d: {  	_ =	shalt  }
0x5e: {  	_ =	shalt  }
0x5f: {  	_ =	shalt  }
0x60: {  	_ =	shalt  }
0x61: {  	_ =	shalt  }
0x62: {  	_ =	shalt  }
0x63: {  	_ =	shalt  }
0x64: {  	_ =	shalt  }
0x65: {  	_ =	shalt  }
0x66: {  	_ =	shalt  }
0x67: {  	_ =	shalt  }
0x68: {  	_ =	shalt  }
0x69: {  	_ =	shalt  }
0x6a: {  	_ =	shalt  }
0x6b: {  	_ =	shalt  }
0x6c: {  	_ =	shalt  }
0x6d: {  	_ =	shalt  }
0x6e: {  	_ =	shalt  }
0x6f: {  	_ =	shalt  }
0x70: {  	_ =	shalt  }
0x71: {  	_ =	shalt  }
0x72: {  	_ =	shalt  }
0x73: {  	_ =	shalt  }
0x74: {  	_ =	shalt  }
0x75: {  	_ =	shalt  }
0x76: {  	_ =	shalt  }
0x77: {  	_ =	shalt  }
0x78: {  	_ =	shalt  }
0x79: {  	_ =	shalt  }
0x7a: {  	_ =	shalt  }
0x7b: {  	_ =	shalt  }
0x7c: {  	_ =	shalt  }
0x7d: {  	_ =	shalt  }
0x7e: {  	_ =	shalt  }
0x7f: {  	_ =	shalt  }
0x80: {  	_ =	shalt  }
0x81: {  	_ =	shalt  }
0x82: {  	_ =	shalt  }
0x83: {  	_ =	shalt  }
0x84: {  	_ =	shalt  }
0x85: {  	_ =	shalt  }
0x86: {  	_ =	shalt  }
0x87: {  	_ =	shalt  }
.Lfunc_end0:
.L_simem_size_0:
called_computation_lowered:
.L_overlay_start_0:
0x88: {  	s2 =	sld [smem:$0x3FD9]  }
0x89: {  	s3 =	sld [smem:$0x3FFE];
	_ =	sdelay $0x1  }
0x8a: {  	s1 =	srdreg.scid  }
0x8b: {  	s0 =	sand.u32 $0x1, s1  }
0x8c: {  	s17 =	sshll.u32 s0, $0xA;
	s2 =	sadd.s32 s3, s2  }
0x8d: {  	s2 =	sadd.s32 s2, s17  }
0x8e: {  	[smem:$0x3FBD] =	sst s2  }
0x8f: {  	_ = 	snop  }
0x90: {  	s2 =	sld [smem:$0x3FC9]  }
0x91: {  	s18 =	sld [smem:$0x3FC8]  }
0x92: {  	s4 =	sld [smem:$0x3FC6]  }
0x93: {  	s5 =	sld [smem:$0x3FD0];
	(tm) =	ssettm $0x1  }
0x94: {  	s6 =	sld [smem:$0x3FFB];
	_ =	sdelay $0x3  }
0x95: {  	_ =	strace s6  }
0x96: {  	s6 =	sld [smem:$0x3FFC];
	_ =	sdelay $0x3  }
0x97: {  	_ =	strace s6  }
0x98: {  	s6 =	sld [smem:$0x3FFD];
	_ =	sdelay $0x3  }
0x99: {  	_ =	strace s6  }
0x9a: {  	_ =	strace $0x8FFFFFFF  }
0x9b: {  	s19 =	sld [smem:$0x3FDB];
	_ =	sdelay $0x1  }
0x9c: {  	s7 =	simm.s32 $_scs_section_size  }
0x9d: {  	s8 =	simm.s32 $_size__tile_overlayer_lowered;
	s9 =	simm.s32 $_tile_overlayer_lowered  }
0x9e: {  	s22 =	simm.s32 $0x1BFF;
	s21 =	sshll.u32 s9, $0x1;
	s6 =	sadd.s32 s7, s19  }
0x9f: {  	s10 =	simm.s32 $0x0;
	s20 =	sshll.u32 s8, $0x1;
	s8 =	sadd.s32 s21, s6  }
0xa0: {  	[timem:s10], [sflag:s22] =	dma.local [hbm:s8], s20  }
0xa1: {  	_ =	swait.ge [sflag:s22], s20  }
0xa2: {  	s7 =	ssub.s32 $0x0, s20;
	[sflag:s22] =	ssyncset.done $0x0  }
0xa3: {  	[sflag:s22] =	ssyncadd.s32 s7;
	_ =	sdelay $0x1  }
0xa4: {  	s23 =	simm.s32 $0x1B8B  }
0xa5: {  	_ =	swait.ge [sflag:s23], $0x1  }
0xa6: {  	[sflag:s23] =	ssyncset.done $0x0  }
0xa7: {  	s25 =	simm.s32 $0x1B8E;
	s24 =	sld [smem:$0x3FFE];
	[sflag:s23] =	ssyncadd.s32 $0xFFFFFFFF  }
0xa8: {  	s26 =	simm.s32 $execute0_lowered;
	[smem:$0x3FD2] =	sst s25  }
0xa9: {  	s8 =	sshll.u32 s26, $0x1;
	_ =	strace $0x80000046;
	[dreg:$0x1] =	wrdreg $0xFFFFFFFF  }
0xaa: {  	s28 =	simm.s32 $_size_execute0_lowered;
	s6 =	sadd.s32 s6, s8;
	[dreg:$0x0] =	wrdreg $0x0  }
0xab: {  	s8 =	sshll.u32 s28, $0x1;
	[dreg:$0x2] =	wrdreg s6  }
0xac: {  	[dreg:$0x3] =	wrdreg s8  }
0xad: {  	[dreg:$0x4] =	wrdreg $0xC0  }
0xae: {  	_ =	task [dreg:s10], $0x5FFFF  }
0xaf: {  	[dreg:$0x1] =	wrdreg $0xFFFFFFFF  }
0xb0: {  	[dreg:$0x0] =	wrdreg $0x60  }
0xb1: {  	[dreg:$0x2] =	wrdreg s4  }
0xb2: {  	[dreg:$0x3] =	wrdreg s2  }
0xb3: {  	[dreg:$0x4] =	wrdreg s24  }
0xb4: {  	[dreg:$0x5] =	wrdreg s18  }
0xb5: {  	[dreg:$0x6] =	wrdreg s5  }
0xb6: {  	[dreg:$0x7] =	wrdreg $0x9  }
0xb7: {  	_ =	task.clear_ibuf [dreg:s10], $0x8FFFF;
	_ =	strace $0x90000046  }
0xb8: {  	s29 =	simm.s32 $0x9;
	_ =	strace $0x80000048  }
0xb9: {  	_ =	swait.ge [sflag:s29], $0x1  }
0xba: {  	[sflag:s29] =	ssyncadd.s32 $0xFFFFFFFF  }
0xbb: {  	_ =	strace $0x90000048  }
0xbc: {  	_ =	sfence  }
0xbd: {  	s30 =	sld [smem:$0x0];
	_ =	sdelay $0x2  }
0xbe: {  	s31 =	sshll.u32 s1, $0xD;
	s1 =	sshrl.u32 s1, $0x2  }
0xbf: {  	s3 =	sand.u32 $0x4000, s31;
	s1 =	sadd.s32 s1, s30  }
0xc0: {  	s0 =	sor.u32 s3, s0;
	s1 =	sshll.u32 s1, $0x11  }
0xc1: {  	s0 =	sor.u32 s1, s0  }
0xc2: {  	s0 =	sadd.s32 $0x8F2B, s0  }
0xc3: {  	[sflag:s0] =	ssyncadd.remote.s32 $0x1  }
0xc4: {  	_ =	sfence.sel $0xFFFF  }
0xc5: {  	[dreg:$0x0] =	wrdreg $0xFFFFFFFF;
	(pc) =	sbr.abs _section_cstart, $3  }
0xc6: {  	[dreg:$0x1] =	wrdreg $0xFFFFFFFF  }
0xc7: {  	_ =	task.clear_ibuf [dreg:s10], $0x2FFFF;
	_ =	strace $0x9FFFFFFF  }
0xc8: {  	(tm) =	ssettm $0x7FFFFFFF  }
0xc9: {  	_ =	shalt  }
tec
execute0_lowered:
.L_overlay_start_1:
0x0: {  	(tag) =	ssettag $0x1  }
0x1: {  	s4 =	rddreg [dreg:$0x0]  }
0x2: {  	s1 =	rddreg [dreg:$0x1]  }
0x3: {  	s5 =	rddreg [dreg:$0x2]  }
0x4: {  	s6 =	rddreg [dreg:$0x3]  }
0x5: {  	s7 =	rddreg [dreg:$0x4]  }
0x6: {  	s0 =	rddreg [dreg:$0x5]  }
0x7: {  	s8 =	srdreg.scid;
	s2 =	stileid.u32;
	s3 =	simm.s32 $0x0  }
0x8: {  	s14 =	simm.s32 $0x14100;
	s15 =	simm.s32 $0x1;
	s16 =	simm.s32 $0x15100  }
0x9: {  	s17 =	simm.s32 $0x2;
	s18 =	simm.s32 $0x19100;
	s19 =	simm.s32 $0x0  }
0xa: {  	s8 =	sand.u32 $0x1, s8;
	s9 =	sshll.u32 s2, $0x1;
	[smem:$0x7FF] =	sst s3  }
0xb: {  	s12 =	sshrl.u32 s2, $0x2;
	s9 =	sor.u32 s8, s9;
	_ =	strace $0x80000047  }
0xc: {  	s8 =	ssub.s32 $0x2, s8;
	s13 =	sshll.u32 s12, $0x10;
	s30 =	sshll.u32 s12, $0x9  }
0xd: {  	s10 =	sand.u32 $0x7, s9;
	s28 =	sshrl.u32 s8, $0x1;
	s4 =	sadd.s32 s4, s13  }
0xe: {  	s9 =	sshll.u32 s9, $0xB;
	s12 =	sadd.s32 s30, s7;
	s6 =	sadd.s32 s6, s30  }
0xf: {  	s13 =	simm.s32 $0x10100;
	s11 =	sshll.u32 s10, $0x5;
	s29 =	sshll.u32 s10, $0x4  }
0x10: {  	s10 =	sshll.u32 s10, $0xB;
	s7 =	sadd.s32 s7, s9;
	s5 =	sadd.s32 s11, s5  }
0x11: {  	s11 =	ssub.s32 s8, s28;
	s4 =	sadd.s32 s29, s4;
	s31 =	sadd.s32 s10, s12  }
0x12: {  	s10 =	simm.s32 $0x80;
	s12 =	simm.s32 $0x10000;
	s5 =	sadd.s32 $0x1800, s5  }
0x13: {  	s8 =	sadd.s32 $0x10000, s31;
	s9 =	smax.u32 s11, $0x1;
	s11 =	simm.s32 $0x400  }
.LBB2_1:
0x14: {  	[tilespmem:s3], [sflag:$0x1] =	stream.strided.gather [hbm4b:s4+s10], $0x10000, s11, s10, $0x38;
	[tilespmem:$0x1A100] =	vst v63  }
0x15: {  	_ = 	snop  }
0x16: {  	[tilespmem:s12], [sflag:$0x1] =	stream.linear.gather [hbm4b:s5+s3], $0x100, $0x38;
	[tilespmem:$0x1A100] =	vst v63  }
0x17: {  	_ = 	snop  }
0x18: {  	[tilespmem:s13], [sflag:$0x1] =	stream.linear.gather [hbm4b:s1+s3], $0x4000, $0x38;
	[tilespmem:$0x1A100] =	vst v63  }
0x19: {  	_ = 	snop  }
0x1a: {  	[tilespmem:s14], [sflag:$0x1] =	stream.linear.gather [hbm4b:s6+s3], $0x1000, $0x38;
	[tilespmem:$0x1A100] =	vst v63  }
0x1b: {  	_ =	swait.ge [sflag:s15], $0x10000  }
0x1c: {  	[sflag:s15] =	ssyncset.done $0x0  }
0x1d: {  	[sflag:s15] =	ssyncadd.s32 $0xFFFF0000  }
0x1e: {  	_ =	swait.ge [sflag:s15], $0x100  }
0x1f: {  	[sflag:s15] =	ssyncset.done $0x0  }
0x20: {  	[sflag:s15] =	ssyncadd.s32 $0xFFFFFF00  }
0x21: {  	_ =	swait.ge [sflag:s15], $0x4000  }
0x22: {  	[sflag:s15] =	ssyncset.done $0x0  }
0x23: {  	[sflag:s15] =	ssyncadd.s32 $0xFFFFC000  }
0x24: {  	_ =	swait.ge [sflag:s15], $0x1000  }
0x25: {  	[sflag:s15] =	ssyncset.done $0x0  }
0x26: {  	s20 =	simm.s32 $0x10180;
	[sflag:s15] =	ssyncadd.s32 $0xFFFFF000  }
0x27: {  	v0 =	vld [tilespmem:s20+$0x70]  }
0x28: {  	v1 =	vld [tilespmem:s20+$0xFFFFFF90]  }
0x29: {  	v2 =	vld [tilespmem:s20+$0xFFFFFFA0]  }
0x2a: {  	v3 =	vld [tilespmem:s20+$0xFFFFFFB0]  }
0x2b: {  	v4 =	vld [tilespmem:s20+$0xFFFFFFC0]  }
0x2c: {  	v5 =	vld [tilespmem:s20+$0xFFFFFFD0]  }
0x2d: {  	v6 =	vld [tilespmem:s20+$0xFFFFFFE0]  }
0x2e: {  	v7 =	vld [tilespmem:s20+$0xFFFFFFF0]  }
0x2f: {  	v8 =	vld [tilespmem:s20+$0x0]  }
0x30: {  	v9 =	vld [tilespmem:s20+$0x10]  }
0x31: {  	v10 =	vld [tilespmem:s20+$0x20]  }
0x32: {  	v11 =	vld [tilespmem:s20+$0x30]  }
0x33: {  	v12 =	vld [tilespmem:s20+$0x40]  }
0x34: {  	v13 =	vld [tilespmem:s20+$0x50]  }
0x35: {  	v14 =	vld [tilespmem:s20+$0x60]  }
0x36: {  	v15 =	vld [tilespmem:s20+$0xFFFFFF80]  }
0x37: {  	v0 =	vld.idx.msk [tilespmem:v0+s3+$0x0], $0xffff  }
0x38: {  	v1 =	vld.idx.msk [tilespmem:v1+s3+$0x0], $0xffff  }
0x39: {  	v2 =	vld.idx.msk [tilespmem:v2+s3+$0x0], $0xffff  }
0x3a: {  	v3 =	vld.idx.msk [tilespmem:v3+s3+$0x0], $0xffff  }
0x3b: {  	v4 =	vld.idx.msk [tilespmem:v4+s3+$0x0], $0xffff  }
0x3c: {  	s21 =	simm.s32 $0x15180;
	v5 =	vld.idx.msk [tilespmem:v5+s3+$0x0], $0xffff  }
0x3d: {  	v6 =	vld.idx.msk [tilespmem:v6+s3+$0x0], $0xffff;
	[tilespmem:s21+$0x70] =	vst v0  }
0x3e: {  	v7 =	vld.idx.msk [tilespmem:v7+s3+$0x0], $0xffff;
	[tilespmem:s21+$0xFFFFFF90] =	vst v1  }
0x3f: {  	v15 =	vld.idx.msk [tilespmem:v15+s3+$0x0], $0xffff;
	[tilespmem:s21+$0xFFFFFFA0] =	vst v2  }
0x40: {  	v8 =	vld.idx.msk [tilespmem:v8+s3+$0x0], $0xffff;
	[tilespmem:s21+$0xFFFFFFB0] =	vst v3  }
0x41: {  	[tilespmem:s21+$0xFFFFFFC0] =	vst v4;
	v0 =	vld.idx.msk [tilespmem:v9+s3+$0x0], $0xffff  }
0x42: {  	[tilespmem:s21+$0xFFFFFFD0] =	vst v5;
	v1 =	vld.idx.msk [tilespmem:v10+s3+$0x0], $0xffff  }
0x43: {  	[tilespmem:s21+$0xFFFFFFE0] =	vst v6;
	v2 =	vld.idx.msk [tilespmem:v11+s3+$0x0], $0xffff  }
0x44: {  	[tilespmem:s21+$0xFFFFFFF0] =	vst v7;
	v3 =	vld.idx.msk [tilespmem:v12+s3+$0x0], $0xffff  }
0x45: {  	s23 =	simm.s32 $0x0;
	[tilespmem:s21+$0xFFFFFF80] =	vst v15;
	v4 =	vld.idx.msk [tilespmem:v13+s3+$0x0], $0xffff  }
0x46: {  	s22 =	simm.s32 $0x14180;
	s24 =	simm.s32 $0x10280;
	s20 =	simm.s32 $0x19180;
	[tilespmem:s21+$0x0] =	vst v8;
	v5 =	vld.idx.msk [tilespmem:v14+s3+$0x0], $0xffff  }
.LBB2_2:
0x47: {  	v6 =	vld [tilespmem:s24+$0x70];
	s23 =	sadd.s32 $0x10, s23;
	[tilespmem:s21+$0x10] =	vst v0  }
0x48: {  	v0 =	vld [tilespmem:s24+$0xFFFFFF90];
	p0 =	slt.u32 s23, $0x3F0;
	[tilespmem:s21+$0x20] =	vst v1  }
0x49: {  	v1 =	vld [tilespmem:s24+$0xFFFFFFA0];
	[tilespmem:s21+$0x30] =	vst v2  }
0x4a: {  	v2 =	vld [tilespmem:s24+$0xFFFFFFB0];
	[tilespmem:s21+$0x40] =	vst v3  }
0x4b: {  	v3 =	vld [tilespmem:s24+$0xFFFFFFC0];
	[tilespmem:s21+$0x50] =	vst v4  }
0x4c: {  	v4 =	vld [tilespmem:s24+$0xFFFFFFD0];
	[tilespmem:s21+$0x60] =	vst v5  }
0x4d: {  	v5 =	vld [tilespmem:s24+$0xFFFFFFE0]  }
0x4e: {  	v7 =	vld [tilespmem:s24+$0xFFFFFFF0]  }
0x4f: {  	v6 =	vld.idx.msk [tilespmem:v6+s3+$0x0], $0xffff  }
0x50: {  	v8 =	vld [tilespmem:s24+$0x0]  }
0x51: {  	v9 =	vld [tilespmem:s24+$0x10]  }
0x52: {  	v10 =	vld [tilespmem:s24+$0x20]  }
0x53: {  	v11 =	vld [tilespmem:s24+$0x30]  }
0x54: {  	s21 =	sadd.s32 $0x100, s21;
	v12 =	vld [tilespmem:s24+$0x40]  }
0x55: {  	v13 =	vld [tilespmem:s24+$0x50];
	[tilespmem:s21+$0x70] =	vst v6  }
0x56: {  	v6 =	vld [tilespmem:s24+$0x60]  }
0x57: {  	v14 =	vld [tilespmem:s24+$0xFFFFFF80]  }
0x58: {  	v0 =	vld.idx.msk [tilespmem:v0+s3+$0x0], $0xffff  }
0x59: {  	v1 =	vld.idx.msk [tilespmem:v1+s3+$0x0], $0xffff  }
0x5a: {  	v2 =	vld.idx.msk [tilespmem:v2+s3+$0x0], $0xffff  }
0x5b: {  	v3 =	vld.idx.msk [tilespmem:v3+s3+$0x0], $0xffff  }
0x5c: {  	v4 =	vld.idx.msk [tilespmem:v4+s3+$0x0], $0xffff  }
0x5d: {  	v5 =	vld.idx.msk [tilespmem:v5+s3+$0x0], $0xffff  }
0x5e: {  	[tilespmem:s21+$0xFFFFFF90] =	vst v0;
	v7 =	vld.idx.msk [tilespmem:v7+s3+$0x0], $0xffff  }
0x5f: {  	v14 =	vld.idx.msk [tilespmem:v14+s3+$0x0], $0xffff;
	[tilespmem:s21+$0xFFFFFFA0] =	vst v1  }
0x60: {  	[tilespmem:s21+$0xFFFFFFB0] =	vst v2;
	v8 =	vld.idx.msk [tilespmem:v8+s3+$0x0], $0xffff  }
0x61: {  	[tilespmem:s21+$0xFFFFFFC0] =	vst v3;
	v0 =	vld.idx.msk [tilespmem:v9+s3+$0x0], $0xffff  }
.Ltmp0:
0x62: {  	[tilespmem:s21+$0xFFFFFFD0] =	vst v4;
	v1 =	vld.idx.msk [tilespmem:v10+s3+$0x0], $0xffff;
	(pc) =	sbr.rel @p0 .LBB2_2-.Ltmp0, $4  }
0x63: {  	[tilespmem:s21+$0xFFFFFFE0] =	vst v5;
	v2 =	vld.idx.msk [tilespmem:v11+s3+$0x0], $0xffff  }
0x64: {  	[tilespmem:s21+$0xFFFFFFF0] =	vst v7;
	v3 =	vld.idx.msk [tilespmem:v12+s3+$0x0], $0xffff  }
0x65: {  	[tilespmem:s21+$0xFFFFFF80] =	vst v14;
	v4 =	vld.idx.msk [tilespmem:v13+s3+$0x0], $0xffff  }
0x66: {  	s24 =	sadd.s32 $0x100, s24;
	[tilespmem:s21+$0x0] =	vst v8;
	v5 =	vld.idx.msk [tilespmem:v6+s3+$0x0], $0xffff  }
0x67: {  	[tilespmem:s21+$0x10] =	vst v0  }
0x68: {  	[tilespmem:s21+$0x20] =	vst v1  }
0x69: {  	[tilespmem:s21+$0x30] =	vst v2  }
0x6a: {  	[tilespmem:s21+$0x40] =	vst v3  }
0x6b: {  	[tilespmem:s21+$0x50] =	vst v4  }
0x6c: {  	[tilespmem:s21+$0x60] =	vst v5  }
0x6d: {  	v0 =	vld [tilespmem:s22+$0x70]  }
0x6e: {  	v1 =	vld [tilespmem:s22+$0xFFFFFF90]  }
0x6f: {  	v2 =	vld [tilespmem:s22+$0xFFFFFFA0]  }
0x70: {  	v3 =	vld [tilespmem:s22+$0xFFFFFFB0]  }
0x71: {  	v4 =	vld [tilespmem:s22+$0xFFFFFFC0]  }
0x72: {  	v5 =	vld [tilespmem:s22+$0xFFFFFFD0]  }
0x73: {  	v6 =	vld [tilespmem:s22+$0xFFFFFFE0]  }
0x74: {  	v7 =	vld [tilespmem:s22+$0xFFFFFFF0]  }
0x75: {  	v8 =	vld [tilespmem:s22+$0x0]  }
0x76: {  	v9 =	vld [tilespmem:s22+$0x10]  }
0x77: {  	v10 =	vld [tilespmem:s22+$0x20]  }
0x78: {  	v11 =	vld [tilespmem:s22+$0x30]  }
0x79: {  	v12 =	vld [tilespmem:s22+$0x40]  }
0x7a: {  	v13 =	vld [tilespmem:s22+$0x50]  }
0x7b: {  	v14 =	vld [tilespmem:s22+$0x60]  }
0x7c: {  	v15 =	vld [tilespmem:s22+$0xFFFFFF80]  }
0x7d: {  	v0 =	vld.idx.msk [tilespmem:v0+s12+$0x0], $0xffff  }
0x7e: {  	v1 =	vld.idx.msk [tilespmem:v1+s12+$0x0], $0xffff  }
0x7f: {  	v2 =	vld.idx.msk [tilespmem:v2+s12+$0x0], $0xffff  }
0x80: {  	v3 =	vld.idx.msk [tilespmem:v3+s12+$0x0], $0xffff  }
0x81: {  	v4 =	vld.idx.msk [tilespmem:v4+s12+$0x0], $0xffff  }
0x82: {  	v5 =	vld.idx.msk [tilespmem:v5+s12+$0x0], $0xffff  }
0x83: {  	v6 =	vld.idx.msk [tilespmem:v6+s12+$0x0], $0xffff;
	[tilespmem:s20+$0x70] =	vst v0  }
0x84: {  	v7 =	vld.idx.msk [tilespmem:v7+s12+$0x0], $0xffff;
	[tilespmem:s20+$0xFFFFFF90] =	vst v1  }
0x85: {  	v15 =	vld.idx.msk [tilespmem:v15+s12+$0x0], $0xffff;
	[tilespmem:s20+$0xFFFFFFA0] =	vst v2  }
0x86: {  	v8 =	vld.idx.msk [tilespmem:v8+s12+$0x0], $0xffff;
	[tilespmem:s20+$0xFFFFFFB0] =	vst v3  }
0x87: {  	[tilespmem:s20+$0xFFFFFFC0] =	vst v4;
	v0 =	vld.idx.msk [tilespmem:v9+s12+$0x0], $0xffff  }
0x88: {  	[tilespmem:s20+$0xFFFFFFD0] =	vst v5;
	v1 =	vld.idx.msk [tilespmem:v10+s12+$0x0], $0xffff  }
0x89: {  	[tilespmem:s20+$0xFFFFFFE0] =	vst v6;
	v2 =	vld.idx.msk [tilespmem:v11+s12+$0x0], $0xffff  }
0x8a: {  	[tilespmem:s20+$0xFFFFFFF0] =	vst v7;
	v3 =	vld.idx.msk [tilespmem:v12+s12+$0x0], $0xffff  }
0x8b: {  	[tilespmem:s20+$0xFFFFFF80] =	vst v15;
	v4 =	vld.idx.msk [tilespmem:v13+s12+$0x0], $0xffff  }
0x8c: {  	s21 =	simm.s32 $0x0;
	s22 =	simm.s32 $0x14280;
	[tilespmem:s20+$0x0] =	vst v8;
	v5 =	vld.idx.msk [tilespmem:v14+s12+$0x0], $0xffff  }
.LBB2_4:
0x8d: {  	v6 =	vld [tilespmem:s22+$0x70];
	s21 =	sadd.s32 $0x10, s21;
	[tilespmem:s20+$0x10] =	vst v0  }
0x8e: {  	v0 =	vld [tilespmem:s22+$0xFFFFFF90];
	p0 =	slt.u32 s21, $0xF0;
	[tilespmem:s20+$0x20] =	vst v1  }
0x8f: {  	v1 =	vld [tilespmem:s22+$0xFFFFFFA0];
	[tilespmem:s20+$0x30] =	vst v2  }
0x90: {  	v2 =	vld [tilespmem:s22+$0xFFFFFFB0];
	[tilespmem:s20+$0x40] =	vst v3  }
0x91: {  	v3 =	vld [tilespmem:s22+$0xFFFFFFC0];
	[tilespmem:s20+$0x50] =	vst v4  }
0x92: {  	v4 =	vld [tilespmem:s22+$0xFFFFFFD0];
	[tilespmem:s20+$0x60] =	vst v5  }
0x93: {  	v5 =	vld [tilespmem:s22+$0xFFFFFFE0]  }
0x94: {  	v7 =	vld [tilespmem:s22+$0xFFFFFFF0]  }
0x95: {  	v6 =	vld.idx.msk [tilespmem:v6+s12+$0x0], $0xffff  }
0x96: {  	v8 =	vld [tilespmem:s22+$0x0]  }
0x97: {  	v9 =	vld [tilespmem:s22+$0x10]  }
0x98: {  	v10 =	vld [tilespmem:s22+$0x20]  }
0x99: {  	v11 =	vld [tilespmem:s22+$0x30]  }
0x9a: {  	s20 =	sadd.s32 $0x100, s20;
	v12 =	vld [tilespmem:s22+$0x40]  }
0x9b: {  	v13 =	vld [tilespmem:s22+$0x50];
	[tilespmem:s20+$0x70] =	vst v6  }
0x9c: {  	v6 =	vld [tilespmem:s22+$0x60]  }
0x9d: {  	v14 =	vld [tilespmem:s22+$0xFFFFFF80]  }
0x9e: {  	v0 =	vld.idx.msk [tilespmem:v0+s12+$0x0], $0xffff  }
0x9f: {  	v1 =	vld.idx.msk [tilespmem:v1+s12+$0x0], $0xffff  }
0xa0: {  	v2 =	vld.idx.msk [tilespmem:v2+s12+$0x0], $0xffff  }
0xa1: {  	v3 =	vld.idx.msk [tilespmem:v3+s12+$0x0], $0xffff  }
0xa2: {  	v4 =	vld.idx.msk [tilespmem:v4+s12+$0x0], $0xffff  }
0xa3: {  	v5 =	vld.idx.msk [tilespmem:v5+s12+$0x0], $0xffff  }
0xa4: {  	[tilespmem:s20+$0xFFFFFF90] =	vst v0;
	v7 =	vld.idx.msk [tilespmem:v7+s12+$0x0], $0xffff  }
0xa5: {  	v14 =	vld.idx.msk [tilespmem:v14+s12+$0x0], $0xffff;
	[tilespmem:s20+$0xFFFFFFA0] =	vst v1  }
0xa6: {  	[tilespmem:s20+$0xFFFFFFB0] =	vst v2;
	v8 =	vld.idx.msk [tilespmem:v8+s12+$0x0], $0xffff  }
0xa7: {  	[tilespmem:s20+$0xFFFFFFC0] =	vst v3;
	v0 =	vld.idx.msk [tilespmem:v9+s12+$0x0], $0xffff  }
.Ltmp1:
0xa8: {  	[tilespmem:s20+$0xFFFFFFD0] =	vst v4;
	v1 =	vld.idx.msk [tilespmem:v10+s12+$0x0], $0xffff;
	(pc) =	sbr.rel @p0 .LBB2_4-.Ltmp1, $4  }
0xa9: {  	[tilespmem:s20+$0xFFFFFFE0] =	vst v5;
	v2 =	vld.idx.msk [tilespmem:v11+s12+$0x0], $0xffff  }
0xaa: {  	[tilespmem:s20+$0xFFFFFFF0] =	vst v7;
	v3 =	vld.idx.msk [tilespmem:v12+s12+$0x0], $0xffff  }
0xab: {  	[tilespmem:s20+$0xFFFFFF80] =	vst v14;
	v4 =	vld.idx.msk [tilespmem:v13+s12+$0x0], $0xffff  }
0xac: {  	s22 =	sadd.s32 $0x100, s22;
	[tilespmem:s20+$0x0] =	vst v8;
	v5 =	vld.idx.msk [tilespmem:v6+s12+$0x0], $0xffff  }
0xad: {  	[tilespmem:s20+$0x10] =	vst v0  }
0xae: {  	[tilespmem:s20+$0x20] =	vst v1  }
0xaf: {  	[tilespmem:s20+$0x30] =	vst v2  }
0xb0: {  	[tilespmem:s20+$0x40] =	vst v3  }
0xb1: {  	[tilespmem:s20+$0x50] =	vst v4  }
0xb2: {  	[tilespmem:s20+$0x60] =	vst v5  }
0xb3: {  	[hbm4b:s7+s3] =	stream.linear.scatter [tilespmem:s16], [sflag:$0x2], $0x4000, $0x38;
	[tilespmem:$0x1A100] =	vst v63  }
0xb4: {  	s19 =	sadd.s32 $0x1, s19;
	_ =	swait.ge [sflag:s17], $0x4000  }
0xb5: {  	p0 =	sne.s32 s19, s9;
	[sflag:s17] =	ssyncset.done $0x0  }
.Ltmp2:
0xb6: {  	[sflag:s17] =	ssyncadd.s32 $0xFFFFC000;
	(pc) =	sbr.rel @p0 .LBB2_1-.Ltmp2, $4  }
0xb7: {  	[hbm4b:s8+s3] =	stream.linear.scatter [tilespmem:s18], [sflag:$0x2], $0x1000, $0x38;
	[tilespmem:$0x1A100] =	vst v63  }
0xb8: {  	_ =	swait.ge [sflag:s17], $0x1000  }
0xb9: {  	[sflag:s17] =	ssyncset.done $0x0  }
0xba: {  	[sflag:s17] =	ssyncadd.s32 $0xFFFFF000  }
0xbb: {  	_ =	sfence.sel $0x180000  }
0xbc: {  	[bflag:$0x0] =	sbarrier.arrive $0xFFFF  }
0xbd: {  	p0 =	sne.s32 s2, $0x0;
	_ =	strace $0x90000047  }
0xbe: {  	s0 =	sadd.s32 @!p0 $0x100000, s0;
	[bflag:$0x2] =	sbarrier.arrive $0xFFFF  }
0xbf: {  	[sflag:s0] =	ssyncadd.tile.s32 @!p0 $0x1;
	_ =	shalt  }
.Lfunc_end2:
_tile_overlayer_lowered:
.L_overlay_start_2:
0xc0: {  	(tag) =	ssettag $0x2  }
0xc1: {  	s0 =	rddreg [dreg:$0x0];
	s2 =	stileid.u32  }
0xc2: {  	s1 =	rddreg [dreg:$0x1];
	p0 =	sne.s32 s2, $0x0  }
0xc3: {  	s3 =	rddreg [dreg:$0x2];
	[bflag:$0x3] =	sbarrier.arrive $0xFFFF;
	s2 =	simm.s32 @!p0 $0x1C02  }
0xc4: {  	[timem:s3], [sflag:s2] =	dma.local @!p0 [hbm:s0], s1  }
0xc5: {  	s0 =	simm.s32 @!p0 $0x2  }
0xc6: {  	_ =	swait.ge @!p0 [sflag:s0], s1  }
0xc7: {  	s1 =	ssub.s32 @!p0 $0x0, s1;
	[sflag:s0] =	ssyncset.done @!p0 $0x0  }
0xc8: {  	[sflag:s0] =	ssyncadd.s32 @!p0 s1  }
0xc9: {  	[bflag:$0x3] =	sbarrier.arrive $0xFFFF  }
0xca: {  	_ =	shalt  }

</sc_bundles>
